<compile_context>
chip_gen: v7x
topology: tpu7x:2x2x1
jax: 0.10.2.dev20260603
libtpu: 0.0.44.dev20260713+nightly
codegen_flags: <defaults>
</compile_context>

<pallas_src>
import jax
import jax.numpy as jnp
from jax import lax
from jax.experimental import pallas as pl
from jax.experimental.pallas import tpu as pltpu
from jax.experimental.pallas import tpu_sc as plsc

_B, _C, _H, _W, _K = 16, 80, 128, 128, 128
_HW = _H * _W
_CHW = _C * _HW
_N = _B * _K * _C
_NW = 32
_PER_TILE = _N // _NW
_PAIRS = (_B * _K) // _NW
_CHUNK = 128
_NCHUNK = _PER_TILE // _CHUNK
_ROWS = _N // 128


def _sc_gather_body(feat_hbm, ind_hbm, out_hbm, ind_v, idx_v, vals_v, sem):
    wid = lax.axis_index("s") * 2 + lax.axis_index("c")
    b = wid // 2
    k0 = (wid % 2) * _PAIRS
    pltpu.sync_copy(ind_hbm.at[b, pl.ds(k0, _PAIRS)], ind_v)

    base = jnp.full((16,), b * _CHW, jnp.int32)
    iv0 = [ind_v[pl.ds(q * 16, 16)] + base for q in range(_PAIRS // 16)]

    def chunk_body(j, carry):
        cur = list(carry)
        for ce in range(2):
            for q in range(_PAIRS // 16):
                idx_v[j, pl.ds(ce * _PAIRS + q * 16, 16)] = cur[q]
            cur = [v + _HW for v in cur]
        pltpu.async_copy(feat_hbm.at[idx_v.at[j]], vals_v.at[j], sem)
        return tuple(cur)

    lax.fori_loop(0, _NCHUNK, chunk_body, tuple(iv0))
    pltpu.make_async_copy(out_hbm.at[wid], vals_v, sem).wait()

    pltpu.sync_copy(vals_v, out_hbm.at[wid])


def _sc_gather(feat_flat, ind):
    mesh = plsc.VectorSubcoreMesh(core_axis_name="c", subcore_axis_name="s")
    kern = pl.kernel(
        _sc_gather_body,
        out_type=jax.ShapeDtypeStruct((_NW, _NCHUNK, _CHUNK), jnp.float32),
        mesh=mesh,
        scratch_types=[
            pltpu.VMEM((_PAIRS,), jnp.int32),
            pltpu.VMEM((_NCHUNK, _CHUNK), jnp.int32),
            pltpu.VMEM((_NCHUNK, _CHUNK), jnp.float32),
            pltpu.SemaphoreType.DMA,
        ],
    )
    return kern(feat_flat, ind)


def _loss_body(g_ref, t_ref, w_ref, out_ref):
    p = jnp.clip(g_ref[...], 0.0001, 1.0 - 0.0001)
    t = t_ref[...]
    gt = (1.0 - t) ** 4
    neg = jnp.sum(jnp.log(1.0 - p) * p * p * gt)
    w = w_ref[...]
    pos = jnp.sum(jnp.log(p) * (1.0 - p) ** 2 * w)
    num_pos = jnp.sum(w)
    denom = jnp.where(num_pos == 0.0, 1.0, num_pos)
    loss = jnp.where(num_pos == 0.0, -neg, -(pos + neg) / denom)
    out_ref[...] = jnp.broadcast_to(loss, (1, 1))


def _loss_tc(g2, t2, w2):
    return pl.pallas_call(
        _loss_body,
        out_shape=jax.ShapeDtypeStruct((1, 1), jnp.float32),
    )(g2, t2, w2)


def kernel(output, target, mask, ind, cat):
    ind32 = ind.astype(jnp.int32)
    cat32 = cat.astype(jnp.int32)
    feat_flat = output.reshape(-1)
    g = _sc_gather(feat_flat, ind32)
    g2 = g.reshape(_ROWS, 128)
    t2 = (target.reshape(_B, 2, _PAIRS, _C)
          .transpose(0, 1, 3, 2)
          .reshape(_ROWS, 128))
    onehot = (jnp.arange(_C, dtype=jnp.int32)[None, None, :, None]
              == cat32.reshape(_B, 2, 1, _PAIRS)).astype(jnp.float32)
    w2 = (onehot * mask.reshape(_B, 2, 1, _PAIRS)).reshape(_ROWS, 128)
    loss = _loss_tc(g2, t2, w2)
    return loss[0, 0]

# --- scband reference (transcript-rebuilt; emitter-appended) ---
"""Pipeline reference for scband-weighted-class-loss-53644141527668 (READ-ONLY COPY).

The authoritative reference and input builder live on the scoring server;
editing this copy changes nothing except your own understanding.
"""

import jax, jax.numpy as jnp
import numpy as np


def setup_inputs(seed: int = 0) -> dict:
    key = jax.random.key(seed)
    k1, k2, k3, k4, k5 = jax.random.split(key, 5)
    B, C, H, W, K = 16, 80, 128, 128, 128
    output = jax.random.uniform(k1, (B, C, H, W), dtype=jnp.float32)
    target = jax.random.uniform(k2, (B, K, C), dtype=jnp.float32)
    mask = jax.random.uniform(k3, (B, K), dtype=jnp.float32)
    ind = jax.random.randint(k4, (B, K), 0, H * W, dtype=jnp.int64)
    cat = jax.random.randint(k5, (B, K), 0, C, dtype=jnp.int64)
    return {"output": output, "target": target, "mask": mask, "ind": ind, "cat": cat}


def _tranpose_and_gather_feat(feat, ind):
    # feat: [B, C, H, W] -> [B, H*W, C], then gather along dim 1 with ind [B, K]
    B, C, H, W = feat.shape
    feat = jnp.transpose(feat, (0, 2, 3, 1)).reshape(B, H * W, C)
    idx = jnp.broadcast_to(ind[:, :, None], (B, ind.shape[1], C))
    return jnp.take_along_axis(feat, idx, axis=1)


def reference(output, target, mask, ind, cat):
    # pred computed in the original forward (unused downstream) -- kept for faithfulness
    pred = _tranpose_and_gather_feat(output, ind)
    out = jnp.clip(output, 0.0001, 1 - 0.0001)
    pos_pred_pix = _tranpose_and_gather_feat(out, ind)
    # _only_neg_loss
    gt = jnp.power(1 - target, 4)
    neg_loss = (jnp.log(1 - pos_pred_pix) * jnp.power(pos_pred_pix, 2) * gt).sum()
    pos_pred = jnp.take_along_axis(pos_pred_pix, cat[:, :, None], axis=2)
    num_pos = mask.sum()
    pos_loss = (jnp.log(pos_pred) * jnp.power(1 - pos_pred, 2) * mask[:, :, None]).sum()
    loss = jnp.where(num_pos == 0, -neg_loss, -(pos_loss + neg_loss) / jnp.where(num_pos == 0, 1.0, num_pos))
    return loss

if __name__ == "__main__":
    import jax
    _d = setup_inputs()
    print(jax.jit(kernel)(*tuple(_d.values())))

</pallas_src>

<mosaic_0001>
#map = affine_map<(d0, d1) -> (0)>
#map1 = affine_map<(d0, d1) -> (0, 0)>
#map2 = affine_map<(d0, d1) -> (0, 0, 0)>
module attributes {stable_mosaic.version = 14 : i64} {
  func.func @_sc_gather_body(%arg0: i32, %arg1: i32, %arg2: memref<20971520xf32, #tpu.memory_space<hbm>>, %arg3: memref<16x128xi32, #tpu.memory_space<hbm>>, %arg4: memref<32x40x128xf32, #tpu.memory_space<hbm>>, %arg5: memref<64xi32, #tpu.memory_space<vmem>>, %arg6: memref<40x128xi32, #tpu.memory_space<vmem>>, %arg7: memref<40x128xf32, #tpu.memory_space<vmem>>, %arg8: memref<!tpu.dma_semaphore, #tpu.memory_space<semaphore_mem>>) attributes {dimension_semantics = [#tpu.dimension_semantics<core_parallel>, #tpu.dimension_semantics<subcore_parallel>], iteration_bounds = array<i64: 2, 16>, scalar_prefetch = 0 : i64, scratch_operands = 4 : i64, tpu.core_type = #tpu.core_type<sc_vector_subcore>, window_params = [{transform_indices = #map}, {transform_indices = #map1}, {transform_indices = #map2}]} {
    %mul3A = arith.constant 2 : i32
    %mul3A_0 = arith.muli %arg1, %mul3A : i32
    %add3A = arith.addi %mul3A_0, %arg0 : i32
    %jit3A = arith.constant 2 : i32
    %div3A = arith.divsi %add3A, %jit3A : i32
    %sign3A = arith.constant 0 : i32
    %sign3A_1 = arith.cmpi sgt, %add3A, %sign3A : i32
    %sign3A_2 = arith.extui %sign3A_1 : i1 to i32
    %sign3A_3 = arith.constant 0 : i32
    %sign3A_4 = arith.cmpi slt, %add3A, %sign3A_3 : i32
    %sign3A_5 = arith.extui %sign3A_4 : i1 to i32
    %sign3A_6 = arith.subi %sign3A_2, %sign3A_5 : i32
    %sign3A_7 = arith.constant 0 : i32
    %sign3A_8 = arith.cmpi sgt, %jit3A, %sign3A_7 : i32
    %sign3A_9 = arith.extui %sign3A_8 : i1 to i32
    %sign3A_10 = arith.constant 0 : i32
    %sign3A_11 = arith.cmpi slt, %jit3A, %sign3A_10 : i32
    %sign3A_12 = arith.extui %sign3A_11 : i1 to i32
    %sign3A_13 = arith.subi %sign3A_9, %sign3A_12 : i32
    %ne3A = arith.cmpi ne, %sign3A_6, %sign3A_13 : i32
    %rem3A = arith.remsi %add3A, %jit3A : i32
    %ne3A_14 = arith.constant 0 : i32
    %ne3A_15 = arith.cmpi ne, %rem3A, %ne3A_14 : i32
    %and3A = arith.andi %ne3A, %ne3A_15 : i1
    %sub3A = arith.constant 1 : i32
    %sub3A_16 = arith.subi %div3A, %sub3A : i32
    %select_n3A = arith.select %and3A, %sub3A_16, %div3A : i32
    %jit3A_17 = arith.constant 2 : i32
    %eq3A = arith.constant 0 : i32
    %eq3A_18 = arith.cmpi eq, %jit3A_17, %eq3A : i32
    %jit3A_19 = arith.constant 1 : i32
    %select_n3A_20 = arith.select %eq3A_18, %jit3A_19, %jit3A_17 : i32
    %rem3A_21 = arith.remsi %add3A, %select_n3A_20 : i32
    %ne3A_22 = arith.constant 0 : i32
    %ne3A_23 = arith.cmpi ne, %rem3A_21, %ne3A_22 : i32
    %lt3A = arith.constant 0 : i32
    %lt3A_24 = arith.cmpi slt, %rem3A_21, %lt3A : i32
    %lt3A_25 = arith.constant 0 : i32
    %lt3A_26 = arith.cmpi slt, %select_n3A_20, %lt3A_25 : i32
    %ne3A_27 = arith.xori %lt3A_24, %lt3A_26 : i1
    %and3A_28 = arith.andi %ne3A_27, %ne3A_23 : i1
    %add3A_29 = arith.addi %rem3A_21, %select_n3A_20 : i32
    %select_n3A_30 = arith.select %and3A_28, %add3A_29, %rem3A_21 : i32
    %mul3A_31 = arith.constant 64 : i32
    %mul3A_32 = arith.muli %select_n3A_30, %mul3A_31 : i32
    "tpu.region"() ({
      %run_scoped3A = tpu.sem_alloc : memref<!tpu.dma_semaphore, #tpu.memory_space<semaphore_mem>>
      %dma_start3A = tpu.memref_slice %arg3[%select_n3A, %mul3A_32] : memref<16x128xi32, #tpu.memory_space<hbm>> -> memref<1x64xi32, #tpu.memory_space<hbm>>
      %dma_start3A_62 = tpu.memref_squeeze %dma_start3A : memref<1x64xi32, #tpu.memory_space<hbm>> -> memref<64xi32, #tpu.memory_space<hbm>>
      %dma_start3A_63 = tpu.memref_slice %arg3[%select_n3A, %mul3A_32] : memref<16x128xi32, #tpu.memory_space<hbm>> -> memref<1x64xi32, #tpu.memory_space<hbm>>
      %dma_start3A_64 = tpu.memref_squeeze %dma_start3A_63 : memref<1x64xi32, #tpu.memory_space<hbm>> -> memref<64xi32, #tpu.memory_space<hbm>>
      tpu.enqueue_dma source(%dma_start3A_64 : memref<64xi32, #tpu.memory_space<hbm>>) target(%arg5 : memref<64xi32, #tpu.memory_space<vmem>>) target_semaphore(%run_scoped3A : memref<!tpu.dma_semaphore, #tpu.memory_space<semaphore_mem>>)
      %dma_wait3A_65 = tpu.memref_slice %arg3[%select_n3A, %mul3A_32] : memref<16x128xi32, #tpu.memory_space<hbm>> -> memref<1x64xi32, #tpu.memory_space<hbm>>
      %dma_wait3A_66 = tpu.memref_squeeze %dma_wait3A_65 : memref<1x64xi32, #tpu.memory_space<hbm>> -> memref<64xi32, #tpu.memory_space<hbm>>
      %dma_wait3A_67 = tpu.memref_slice %arg3[%select_n3A, %mul3A_32] : memref<16x128xi32, #tpu.memory_space<hbm>> -> memref<1x64xi32, #tpu.memory_space<hbm>>
      %dma_wait3A_68 = tpu.memref_squeeze %dma_wait3A_67 : memref<1x64xi32, #tpu.memory_space<hbm>> -> memref<64xi32, #tpu.memory_space<hbm>>
      tpu.wait_dma2 semaphore(%run_scoped3A : memref<!tpu.dma_semaphore, #tpu.memory_space<semaphore_mem>>) src(%dma_wait3A_68 : memref<64xi32, #tpu.memory_space<hbm>>) dst(%arg5 : memref<64xi32, #tpu.memory_space<vmem>>)
      tpu.yield
    }) : () -> ()
    %mul3A_33 = arith.constant 1310720 : i32
    %mul3A_34 = arith.muli %select_n3A, %mul3A_33 : i32
    %broadcast_in_dim3A = vector.broadcast %mul3A_34 : i32 to vector<16xi32>
    %get3A = arith.constant 0 : index
    %get3A_35 = tpu.vector_load %arg5[%get3A] {strides = array<i32>} : memref<64xi32, #tpu.memory_space<vmem>>, vector<16xi32>,
    %get3A_36 = vector.shape_cast %get3A_35 : vector<16xi32> to vector<16xi32>
    %add3A_37 = arith.addi %get3A_36, %broadcast_in_dim3A : vector<16xi32>
    %get3A_38 = arith.constant 16 : index
    %get3A_39 = tpu.vector_load %arg5[%get3A_38] {strides = array<i32>} : memref<64xi32, #tpu.memory_space<vmem>>, vector<16xi32>,
    %get3A_40 = vector.shape_cast %get3A_39 : vector<16xi32> to vector<16xi32>
    %add3A_41 = arith.addi %get3A_40, %broadcast_in_dim3A : vector<16xi32>
    %get3A_42 = arith.constant 32 : index
    %get3A_43 = tpu.vector_load %arg5[%get3A_42] {strides = array<i32>} : memref<64xi32, #tpu.memory_space<vmem>>, vector<16xi32>,
    %get3A_44 = vector.shape_cast %get3A_43 : vector<16xi32> to vector<16xi32>
    %add3A_45 = arith.addi %get3A_44, %broadcast_in_dim3A : vector<16xi32>
    %get3A_46 = arith.constant 48 : index
    %get3A_47 = tpu.vector_load %arg5[%get3A_46] {strides = array<i32>} : memref<64xi32, #tpu.memory_space<vmem>>, vector<16xi32>,
    %get3A_48 = vector.shape_cast %get3A_47 : vector<16xi32> to vector<16xi32>
    %add3A_49 = arith.addi %get3A_48, %broadcast_in_dim3A : vector<16xi32>
    %scan3A = arith.constant 0 : i32
    %scan3A_50 = arith.constant 40 : i32
    %scan3A_51 = arith.addi %scan3A, %scan3A_50 : i32
    %scan3A_52 = arith.constant 1 : i32
    %scan3A_53:4 = scf.for %scan3A_62 = %scan3A to %scan3A_51 step %scan3A_52 iter_args(%scan3A_63 = %add3A_37, %scan3A_64 = %add3A_41, %scan3A_65 = %add3A_45, %scan3A_66 = %add3A_49) -> (vector<16xi32>, vector<16xi32>, vector<16xi32>, vector<16xi32>)  : i32 {
      %swap3A = arith.index_cast %scan3A_62 : i32 to index
      %swap3A_67 = arith.constant 0 : index
      %swap3A_68 = tpu.vector_load %arg6[%swap3A, %swap3A_67] {strides = array<i32>} : memref<40x128xi32, #tpu.memory_space<vmem>>, vector<1x16xi32>,
      %swap3A_69 = vector.shape_cast %swap3A_68 : vector<1x16xi32> to vector<16xi32>
      %swap3A_70 = vector.shape_cast %scan3A_63 : vector<16xi32> to vector<1x16xi32>
      tpu.vector_store %arg6[%swap3A, %swap3A_67], %swap3A_70 {strides = array<i32>} : memref<40x128xi32, #tpu.memory_space<vmem>>, vector<1x16xi32>,
      %swap3A_71 = arith.index_cast %scan3A_62 : i32 to index
      %swap3A_72 = arith.constant 16 : index
      %swap3A_73 = tpu.vector_load %arg6[%swap3A_71, %swap3A_72] {strides = array<i32>} : memref<40x128xi32, #tpu.memory_space<vmem>>, vector<1x16xi32>,
      %swap3A_74 = vector.shape_cast %swap3A_73 : vector<1x16xi32> to vector<16xi32>
      %swap3A_75 = vector.shape_cast %scan3A_64 : vector<16xi32> to vector<1x16xi32>
      tpu.vector_store %arg6[%swap3A_71, %swap3A_72], %swap3A_75 {strides = array<i32>} : memref<40x128xi32, #tpu.memory_space<vmem>>, vector<1x16xi32>,
      %swap3A_76 = arith.index_cast %scan3A_62 : i32 to index
      %swap3A_77 = arith.constant 32 : index
      %swap3A_78 = tpu.vector_load %arg6[%swap3A_76, %swap3A_77] {strides = array<i32>} : memref<40x128xi32, #tpu.memory_space<vmem>>, vector<1x16xi32>,
      %swap3A_79 = vector.shape_cast %swap3A_78 : vector<1x16xi32> to vector<16xi32>
      %swap3A_80 = vector.shape_cast %scan3A_65 : vector<16xi32> to vector<1x16xi32>
      tpu.vector_store %arg6[%swap3A_76, %swap3A_77], %swap3A_80 {strides = array<i32>} : memref<40x128xi32, #tpu.memory_space<vmem>>, vector<1x16xi32>,
      %swap3A_81 = arith.index_cast %scan3A_62 : i32 to index
      %swap3A_82 = arith.constant 48 : index
      %swap3A_83 = tpu.vector_load %arg6[%swap3A_81, %swap3A_82] {strides = array<i32>} : memref<40x128xi32, #tpu.memory_space<vmem>>, vector<1x16xi32>,
      %swap3A_84 = vector.shape_cast %swap3A_83 : vector<1x16xi32> to vector<16xi32>
      %swap3A_85 = vector.shape_cast %scan3A_66 : vector<16xi32> to vector<1x16xi32>
      tpu.vector_store %arg6[%swap3A_81, %swap3A_82], %swap3A_85 {strides = array<i32>} : memref<40x128xi32, #tpu.memory_space<vmem>>, vector<1x16xi32>,
      %add3A_86 = arith.constant 16384 : i32
      %add3A_87 = vector.broadcast %add3A_86 : i32 to vector<16xi32>
      %add3A_88 = arith.addi %scan3A_63, %add3A_87 : vector<16xi32>
      %add3A_89 = arith.constant 16384 : i32
      %add3A_90 = vector.broadcast %add3A_89 : i32 to vector<16xi32>
      %add3A_91 = arith.addi %scan3A_64, %add3A_90 : vector<16xi32>
      %add3A_92 = arith.constant 16384 : i32
      %add3A_93 = vector.broadcast %add3A_92 : i32 to vector<16xi32>
      %add3A_94 = arith.addi %scan3A_65, %add3A_93 : vector<16xi32>
      %add3A_95 = arith.constant 16384 : i32
      %add3A_96 = vector.broadcast %add3A_95 : i32 to vector<16xi32>
      %add3A_97 = arith.addi %scan3A_66, %add3A_96 : vector<16xi32>
      %swap3A_98 = arith.index_cast %scan3A_62 : i32 to index
      %swap3A_99 = arith.constant 64 : index
      %swap3A_100 = tpu.vector_load %arg6[%swap3A_98, %swap3A_99] {strides = array<i32>} : memref<40x128xi32, #tpu.memory_space<vmem>>, vector<1x16xi32>,
      %swap3A_101 = vector.shape_cast %swap3A_100 : vector<1x16xi32> to vector<16xi32>
      %swap3A_102 = vector.shape_cast %add3A_88 : vector<16xi32> to vector<1x16xi32>
      tpu.vector_store %arg6[%swap3A_98, %swap3A_99], %swap3A_102 {strides = array<i32>} : memref<40x128xi32, #tpu.memory_space<vmem>>, vector<1x16xi32>,
      %swap3A_103 = arith.index_cast %scan3A_62 : i32 to index
      %swap3A_104 = arith.constant 80 : index
      %swap3A_105 = tpu.vector_load %arg6[%swap3A_103, %swap3A_104] {strides = array<i32>} : memref<40x128xi32, #tpu.memory_space<vmem>>, vector<1x16xi32>,
      %swap3A_106 = vector.shape_cast %swap3A_105 : vector<1x16xi32> to vector<16xi32>
      %swap3A_107 = vector.shape_cast %add3A_91 : vector<16xi32> to vector<1x16xi32>
      tpu.vector_store %arg6[%swap3A_103, %swap3A_104], %swap3A_107 {strides = array<i32>} : memref<40x128xi32, #tpu.memory_space<vmem>>, vector<1x16xi32>,
      %swap3A_108 = arith.index_cast %scan3A_62 : i32 to index
      %swap3A_109 = arith.constant 96 : index
      %swap3A_110 = tpu.vector_load %arg6[%swap3A_108, %swap3A_109] {strides = array<i32>} : memref<40x128xi32, #tpu.memory_space<vmem>>, vector<1x16xi32>,
      %swap3A_111 = vector.shape_cast %swap3A_110 : vector<1x16xi32> to vector<16xi32>
      %swap3A_112 = vector.shape_cast %add3A_94 : vector<16xi32> to vector<1x16xi32>
      tpu.vector_store %arg6[%swap3A_108, %swap3A_109], %swap3A_112 {strides = array<i32>} : memref<40x128xi32, #tpu.memory_space<vmem>>, vector<1x16xi32>,
      %swap3A_113 = arith.index_cast %scan3A_62 : i32 to index
      %swap3A_114 = arith.constant 112 : index
      %swap3A_115 = tpu.vector_load %arg6[%swap3A_113, %swap3A_114] {strides = array<i32>} : memref<40x128xi32, #tpu.memory_space<vmem>>, vector<1x16xi32>,
      %swap3A_116 = vector.shape_cast %swap3A_115 : vector<1x16xi32> to vector<16xi32>
      %swap3A_117 = vector.shape_cast %add3A_97 : vector<16xi32> to vector<1x16xi32>
      tpu.vector_store %arg6[%swap3A_113, %swap3A_114], %swap3A_117 {strides = array<i32>} : memref<40x128xi32, #tpu.memory_space<vmem>>, vector<1x16xi32>,
      %add3A_118 = arith.constant 16384 : i32
      %add3A_119 = vector.broadcast %add3A_118 : i32 to vector<16xi32>
      %add3A_120 = arith.addi %add3A_88, %add3A_119 : vector<16xi32>
      %add3A_121 = arith.constant 16384 : i32
      %add3A_122 = vector.broadcast %add3A_121 : i32 to vector<16xi32>
      %add3A_123 = arith.addi %add3A_91, %add3A_122 : vector<16xi32>
      %add3A_124 = arith.constant 16384 : i32
      %add3A_125 = vector.broadcast %add3A_124 : i32 to vector<16xi32>
      %add3A_126 = arith.addi %add3A_94, %add3A_125 : vector<16xi32>
      %add3A_127 = arith.constant 16384 : i32
      %add3A_128 = vector.broadcast %add3A_127 : i32 to vector<16xi32>
      %add3A_129 = arith.addi %add3A_97, %add3A_128 : vector<16xi32>
      %dma_start3A = arith.constant 0 : i32
      %dma_start3A_130 = tpu.memref_slice %arg7[%scan3A_62, %dma_start3A] : memref<40x128xf32, #tpu.memory_space<vmem>> -> memref<1x128xf32, #tpu.memory_space<vmem>>
      %dma_start3A_131 = tpu.memref_squeeze %dma_start3A_130 : memref<1x128xf32, #tpu.memory_space<vmem>> -> memref<128xf32, #tpu.memory_space<vmem>>
      %dma_start3A_132 = arith.constant 0 : i32
      %dma_start3A_133 = tpu.memref_slice %arg6[%scan3A_62, %dma_start3A_132] : memref<40x128xi32, #tpu.memory_space<vmem>> -> memref<1x128xi32, #tpu.memory_space<vmem>>
      %dma_start3A_134 = tpu.memref_squeeze %dma_start3A_133 : memref<1x128xi32, #tpu.memory_space<vmem>> -> memref<128xi32, #tpu.memory_space<vmem>>
      %dma_start3A_135 = arith.constant 0 : i32
      %dma_start3A_136 = tpu.memref_slice %arg2[%dma_start3A_135] : memref<20971520xf32, #tpu.memory_space<hbm>> -> memref<20971520xf32, #tpu.memory_space<hbm>>
      tpu.enqueue_indirect_dma source(%dma_start3A_136 : memref<20971520xf32, #tpu.memory_space<hbm>>) target(%dma_start3A_131 : memref<128xf32, #tpu.memory_space<vmem>>) offsets(%dma_start3A_134 : memref<128xi32, #tpu.memory_space<vmem>>) semaphore(%arg8 : memref<!tpu.dma_semaphore, #tpu.memory_space<semaphore_mem>>)
      scf.yield %add3A_120, %add3A_123, %add3A_126, %add3A_129 : vector<16xi32>, vector<16xi32>, vector<16xi32>, vector<16xi32>
    }
    %scan3A_54 = arith.constant 40 : i32
    %dma_wait3A = arith.constant 0 : i32
    %dma_wait3A_55 = arith.constant 0 : i32
    %dma_wait3A_56 = tpu.memref_slice %arg4[%add3A, %dma_wait3A, %dma_wait3A_55] : memref<32x40x128xf32, #tpu.memory_space<hbm>> -> memref<1x40x128xf32, #tpu.memory_space<hbm>>
    %dma_wait3A_57 = tpu.memref_squeeze %dma_wait3A_56 : memref<1x40x128xf32, #tpu.memory_space<hbm>> -> memref<40x128xf32, #tpu.memory_space<hbm>>
    %dma_wait3A_58 = arith.constant 0 : i32
    %dma_wait3A_59 = arith.constant 0 : i32
    %dma_wait3A_60 = tpu.memref_slice %arg4[%add3A, %dma_wait3A_58, %dma_wait3A_59] : memref<32x40x128xf32, #tpu.memory_space<hbm>> -> memref<1x40x128xf32, #tpu.memory_space<hbm>>
    %dma_wait3A_61 = tpu.memref_squeeze %dma_wait3A_60 : memref<1x40x128xf32, #tpu.memory_space<hbm>> -> memref<40x128xf32, #tpu.memory_space<hbm>>
    tpu.wait_dma2 semaphore(%arg8 : memref<!tpu.dma_semaphore, #tpu.memory_space<semaphore_mem>>) src(%dma_wait3A_61 : memref<40x128xf32, #tpu.memory_space<hbm>>) dst(%arg7 : memref<40x128xf32, #tpu.memory_space<vmem>>)
    "tpu.region"() ({
      %run_scoped3A = tpu.sem_alloc : memref<!tpu.dma_semaphore, #tpu.memory_space<semaphore_mem>>
      %dma_start3A = arith.constant 0 : i32
      %dma_start3A_62 = arith.constant 0 : i32
      %dma_start3A_63 = tpu.memref_slice %arg4[%add3A, %dma_start3A, %dma_start3A_62] : memref<32x40x128xf32, #tpu.memory_space<hbm>> -> memref<1x40x128xf32, #tpu.memory_space<hbm>>
      %dma_start3A_64 = tpu.memref_squeeze %dma_start3A_63 : memref<1x40x128xf32, #tpu.memory_space<hbm>> -> memref<40x128xf32, #tpu.memory_space<hbm>>
      %dma_start3A_65 = arith.constant 0 : i32
      %dma_start3A_66 = arith.constant 0 : i32
      %dma_start3A_67 = tpu.memref_slice %arg4[%add3A, %dma_start3A_65, %dma_start3A_66] : memref<32x40x128xf32, #tpu.memory_space<hbm>> -> memref<1x40x128xf32, #tpu.memory_space<hbm>>
      %dma_start3A_68 = tpu.memref_squeeze %dma_start3A_67 : memref<1x40x128xf32, #tpu.memory_space<hbm>> -> memref<40x128xf32, #tpu.memory_space<hbm>>
      tpu.enqueue_dma source(%arg7 : memref<40x128xf32, #tpu.memory_space<vmem>>) target(%dma_start3A_68 : memref<40x128xf32, #tpu.memory_space<hbm>>) target_semaphore(%run_scoped3A : memref<!tpu.dma_semaphore, #tpu.memory_space<semaphore_mem>>)
      %dma_wait3A_69 = arith.constant 0 : i32
      %dma_wait3A_70 = arith.constant 0 : i32
      %dma_wait3A_71 = tpu.memref_slice %arg4[%add3A, %dma_wait3A_69, %dma_wait3A_70] : memref<32x40x128xf32, #tpu.memory_space<hbm>> -> memref<1x40x128xf32, #tpu.memory_space<hbm>>
      %dma_wait3A_72 = tpu.memref_squeeze %dma_wait3A_71 : memref<1x40x128xf32, #tpu.memory_space<hbm>> -> memref<40x128xf32, #tpu.memory_space<hbm>>
      %dma_wait3A_73 = arith.constant 0 : i32
      %dma_wait3A_74 = arith.constant 0 : i32
      %dma_wait3A_75 = tpu.memref_slice %arg4[%add3A, %dma_wait3A_73, %dma_wait3A_74] : memref<32x40x128xf32, #tpu.memory_space<hbm>> -> memref<1x40x128xf32, #tpu.memory_space<hbm>>
      %dma_wait3A_76 = tpu.memref_squeeze %dma_wait3A_75 : memref<1x40x128xf32, #tpu.memory_space<hbm>> -> memref<40x128xf32, #tpu.memory_space<hbm>>
      tpu.wait_dma2 semaphore(%run_scoped3A : memref<!tpu.dma_semaphore, #tpu.memory_space<semaphore_mem>>) src(%arg7 : memref<40x128xf32, #tpu.memory_space<vmem>>) dst(%dma_wait3A_76 : memref<40x128xf32, #tpu.memory_space<hbm>>)
      tpu.yield
    }) : () -> ()
    return
  }
}

module attributes {stable_mosaic.version = 14 : i64} {
  func.func @_loss_body(%arg0: memref<1280x128xf32, #tpu.memory_space<vmem>>, %arg1: memref<1280x128xf32, #tpu.memory_space<vmem>>, %arg2: memref<1280x128xf32, #tpu.memory_space<vmem>>, %arg3: memref<1x1xf32, #tpu.memory_space<vmem>>) attributes {dimension_semantics = [], scalar_prefetch = 0 : i64, scratch_operands = 0 : i64, tpu.core_type = #tpu.core_type<tc>} {
    %get3A = arith.constant 0 : index
    %get3A_0 = arith.constant 0 : index
    %get3A_1 = vector.load %arg0[%get3A, %get3A_0] : memref<1280x128xf32, #tpu.memory_space<vmem>>, vector<1280x128xf32>
    %jit3A = arith.constant 9.99999974E-5 : f32
    %jit3A_2 = arith.constant 0.999899983 : f32
    %max3A = vector.broadcast %jit3A : f32 to vector<1280x128xf32>
    %max3A_3 = arith.maximumf %max3A, %get3A_1 : vector<1280x128xf32>
    %min3A = vector.broadcast %jit3A_2 : f32 to vector<1280x128xf32>
    %min3A_4 = arith.minimumf %min3A, %max3A_3 : vector<1280x128xf32>
    %get3A_5 = arith.constant 0 : index
    %get3A_6 = arith.constant 0 : index
    %get3A_7 = vector.load %arg1[%get3A_5, %get3A_6] : memref<1280x128xf32, #tpu.memory_space<vmem>>, vector<1280x128xf32>
    %sub3A = arith.constant 1.000000e+00 : f32
    %sub3A_8 = vector.broadcast %sub3A : f32 to vector<1280x128xf32>
    %sub3A_9 = arith.subf %sub3A_8, %get3A_7 : vector<1280x128xf32>
    %integer_pow3A = arith.mulf %sub3A_9, %sub3A_9 : vector<1280x128xf32>
    %integer_pow3A_10 = arith.mulf %integer_pow3A, %integer_pow3A : vector<1280x128xf32>
    %sub3A_11 = arith.constant 1.000000e+00 : f32
    %sub3A_12 = vector.broadcast %sub3A_11 : f32 to vector<1280x128xf32>
    %sub3A_13 = arith.subf %sub3A_12, %min3A_4 : vector<1280x128xf32>
    %log3A = math.log %sub3A_13 : vector<1280x128xf32>
    %mul3A = arith.mulf %log3A, %min3A_4 : vector<1280x128xf32>
    %mul3A_14 = arith.mulf %mul3A, %min3A_4 : vector<1280x128xf32>
    %mul3A_15 = arith.mulf %mul3A_14, %integer_pow3A_10 : vector<1280x128xf32>
    %reduce_sum3A = vector.shape_cast %mul3A_15 : vector<1280x128xf32> to vector<1x1280x128xf32>
    %reduce_sum3A_16 = arith.constant dense<0.000000e+00> : vector<1xf32>
    %reduce_sum3A_17 = vector.multi_reduction <add>, %reduce_sum3A, %reduce_sum3A_16 [1, 2] : vector<1x1280x128xf32> to vector<1xf32>
    %reduce_sum3A_18 = vector.shape_cast %reduce_sum3A_17 : vector<1xf32> to vector<1x1x1xf32>
    %reduce_sum3A_19 = vector.extract %reduce_sum3A_18[0, 0, 0] : f32 from vector<1x1x1xf32>
    %get3A_20 = arith.constant 0 : index
    %get3A_21 = arith.constant 0 : index
    %get3A_22 = vector.load %arg2[%get3A_20, %get3A_21] : memref<1280x128xf32, #tpu.memory_space<vmem>>, vector<1280x128xf32>
    %log3A_23 = math.log %min3A_4 : vector<1280x128xf32>
    %sub3A_24 = arith.constant 1.000000e+00 : f32
    %sub3A_25 = vector.broadcast %sub3A_24 : f32 to vector<1280x128xf32>
    %sub3A_26 = arith.subf %sub3A_25, %min3A_4 : vector<1280x128xf32>
    %integer_pow3A_27 = arith.mulf %sub3A_26, %sub3A_26 : vector<1280x128xf32>
    %mul3A_28 = arith.mulf %log3A_23, %integer_pow3A_27 : vector<1280x128xf32>
    %mul3A_29 = arith.mulf %mul3A_28, %get3A_22 : vector<1280x128xf32>
    %reduce_sum3A_30 = vector.shape_cast %mul3A_29 : vector<1280x128xf32> to vector<1x1280x128xf32>
    %reduce_sum3A_31 = arith.constant dense<0.000000e+00> : vector<1xf32>
    %reduce_sum3A_32 = vector.multi_reduction <add>, %reduce_sum3A_30, %reduce_sum3A_31 [1, 2] : vector<1x1280x128xf32> to vector<1xf32>
    %reduce_sum3A_33 = vector.shape_cast %reduce_sum3A_32 : vector<1xf32> to vector<1x1x1xf32>
    %reduce_sum3A_34 = vector.extract %reduce_sum3A_33[0, 0, 0] : f32 from vector<1x1x1xf32>
    %reduce_sum3A_35 = vector.shape_cast %get3A_22 : vector<1280x128xf32> to vector<1x1280x128xf32>
    %reduce_sum3A_36 = arith.constant dense<0.000000e+00> : vector<1xf32>
    %reduce_sum3A_37 = vector.multi_reduction <add>, %reduce_sum3A_35, %reduce_sum3A_36 [1, 2] : vector<1x1280x128xf32> to vector<1xf32>
    %reduce_sum3A_38 = vector.shape_cast %reduce_sum3A_37 : vector<1xf32> to vector<1x1x1xf32>
    %reduce_sum3A_39 = vector.extract %reduce_sum3A_38[0, 0, 0] : f32 from vector<1x1x1xf32>
    %eq3A = arith.constant 0.000000e+00 : f32
    %eq3A_40 = arith.cmpf oeq, %reduce_sum3A_39, %eq3A : f32
    %jit3A_41 = arith.constant 1.000000e+00 : f32
    %select_n3A = arith.select %eq3A_40, %jit3A_41, %reduce_sum3A_39 : f32
    %eq3A_42 = arith.constant 0.000000e+00 : f32
    %eq3A_43 = arith.cmpf oeq, %reduce_sum3A_39, %eq3A_42 : f32
    %neg3A = arith.constant 0.000000e+00 : f32
    %neg3A_44 = arith.subf %neg3A, %reduce_sum3A_19 : f32
    %add3A = arith.addf %reduce_sum3A_34, %reduce_sum3A_19 : f32
    %neg3A_45 = arith.constant 0.000000e+00 : f32
    %neg3A_46 = arith.subf %neg3A_45, %add3A : f32
    %div3A = arith.divf %neg3A_46, %select_n3A : f32
    %select_n3A_47 = arith.select %eq3A_43, %neg3A_44, %div3A : f32
    %broadcast_in_dim3A = vector.broadcast %select_n3A_47 : f32 to vector<1x1xf32>
    %swap3A = arith.constant 0 : index
    %swap3A_48 = arith.constant 0 : index
    %swap3A_49 = vector.load %arg3[%swap3A, %swap3A_48] : memref<1x1xf32, #tpu.memory_space<vmem>>, vector<1x1xf32>
    tpu.vector_store %arg3[%swap3A, %swap3A_48], %broadcast_in_dim3A {strides = array<i32>} : memref<1x1xf32, #tpu.memory_space<vmem>>, vector<1x1xf32>,
    return
  }
}

</mosaic_0001>

<sc_bundles>
// kernel: kernel.4.cloned.1.call-start
scs
__scs_entry_jumppad:
0x0: {  	(pc) =	sbr.rel $0x88, $3  }
0x1: {  	(tag) =	ssettag $0x0;
	lr =	simm.s32 $0x1  }
0x2: {  	[smem:$0x3F9C] =	sst lr;
	_ =	strace $0xD0000000  }
0x3: {  	_ = 	snop  }
0x4: {  	_ = 	snop  }
0x5: {  	_ = 	snop  }
0x6: {  	_ = 	snop  }
0x7: {  	_ = 	snop  }
__scs_overlays_trampoline_lowered:
0x8: {  	[smem:$0x3FAB] =	sst s0  }
0x9: {  	[smem:$0x3FAC] =	sst s1  }
0xa: {  	[smem:$0x3FAD] =	sst s2  }
0xb: {  	[smem:$0x3FAE] =	sst s3  }
0xc: {  	[smem:$0x3FAF] =	sst s4  }
0xd: {  	[smem:$0x3FB0] =	sst s5  }
0xe: {  	[smem:$0x3FB1] =	sst s6  }
0xf: {  	[smem:$0x3FB2] =	sst s7  }
0x10: {  	[smem:$0x3FB3] =	sst s8  }
0x11: {  	[smem:$0x3FB4] =	sst s9;
	s0 =	simm.s32 @!p0 $0x0  }
0x12: {  	s1 =	sld [smem:$0x3F9A];
	s0 =	simm.s32 @p0 $0x1  }
0x13: {  	[smem:$0x3FB5] =	sst s0;
	s0 =	simm.s32 @!p1 $0x0  }
0x14: {  	s2 =	sld [smem:$0x3F99];
	s0 =	simm.s32 @p1 $0x1  }
0x15: {  	[smem:$0x3FB6] =	sst s0;
	s0 =	simm.s32 @!p2 $0x0  }
0x16: {  	s3 =	sld [smem:$0x3FDB];
	s0 =	simm.s32 @p2 $0x1  }
0x17: {  	s4 =	simm.s32 $0x1BF5;
	[smem:$0x3FB8] =	sst s0  }
0x18: {  	s0 =	sld [smem:$0x3F9B];
	_ =	swait.ge [sflag:s4], $0x0  }
0x19: {  	s7 =	sld [smem:$0x3F9C]  }
0x1a: {  	s8 =	sadd.s32 $0xFFFFE003, lr  }
0x1b: {  	s9 =	sadd.s32 $0xFFFFFEF7, lr;
	s5 =	simm.s32 $0xFFFFFFFF;
	p2 =	slt.u32 s8, $0xFFFFF086  }
0x1c: {  	p1 =	slt.u32 s9, $0xF7A;
	s5 =	simm.s32 @!p2 $0x0  }
0x1d: {  	s5 =	simm.s32 @p1 $0x1;
	p0 =	seq.s32 s7, s2  }
0x1e: {  	s7 =	smul.u32 @!p0 $0xF7A, s2;
	p2 =	seq.s32 @!p0 s5, $0x0  }
0x1f: {  	s9 =	smul.u32 $0xF7A, s1;
	s8 =	simm.s32 @!p0 $0x1BF5;
	p2 =	por !p2, p0  }
0x20: {  	[sflag:s8] =	ssyncset.s32 @!p0 $0xFFFFF086;
	s6 =	sadd.s32 @!p0 s3, s7;
	s7 =	simm.s32 @!p0 $0x108  }
0x21: {  	s3 =	sadd.s32 s3, s9;
	s6 =	sadd.s32 @!p0 $0x88, s6;
	s7 =	simm.s32 @p2 $0x1082  }
0x22: {  	[simem:s7], [sflag:s8] =	dma.local @!p0 [hbm:s6], $0xF7A  }
0x23: {  	s9 =	sor.u32 $0xD0000000, s2;
	s6 =	simm.s32 $0x108;
	_ =	swait.ge @!p0 [sflag:s8], $0x0  }
0x24: {  	s3 =	sadd.s32 $0x88, s3;
	s6 =	simm.s32 @!p1 $0x1082;
	[sflag:s4] =	ssyncset.s32 $0xFFFFF086  }
0x25: {  	[simem:s6], [sflag:s4] =	dma.local [hbm:s3], $0xF7A  }
0x26: {  	[smem:$0x3F9C] =	sst s1;
	(tag) =	ssettag s2;
	_ =	strace s9  }
0x27: {  	s1 =	sld [smem:$0x3FAC]  }
0x28: {  	s2 =	sld [smem:$0x3FAD]  }
0x29: {  	s4 =	sld [smem:$0x3FAF]  }
0x2a: {  	p0 =	seq.s32 s5, $0x0;
	s5 =	sld [smem:$0x3FB0]  }
0x2b: {  	s6 =	sld [smem:$0x3FB1]  }
0x2c: {  	s7 =	sld [smem:$0x3FB2]  }
0x2d: {  	s3 =	simm.s32 $0x108;
	s8 =	sld [smem:$0x3FB3]  }
0x2e: {  	s3 =	simm.s32 @!p0 $0x1082;
	s9 =	sld [smem:$0x3FB4]  }
0x2f: {  	lr =	sadd.s32 s0, s3;
	s0 =	sld [smem:$0x3FAB]  }
0x30: {  	s3 =	sld [smem:$0x3FAE]  }
0x31: {  	[smem:$0x3FB7] =	sst s10  }
0x32: {  	s10 =	sld [smem:$0x3FB5];
	_ =	sdelay $0x3  }
0x33: {  	p0 =	seq.s32 s10, $0x1;
	s10 =	sld [smem:$0x3FB7];
	_ =	sdelay $0x3  }
0x34: {  	[smem:$0x3FB7] =	sst s10  }
0x35: {  	s10 =	sld [smem:$0x3FB6];
	_ =	sdelay $0x3  }
0x36: {  	p1 =	seq.s32 s10, $0x1;
	s10 =	sld [smem:$0x3FB7];
	_ =	sdelay $0x3  }
0x37: {  	[smem:$0x3FB7] =	sst s10  }
0x38: {  	s10 =	sld [smem:$0x3FB8]  }
0x39: {  	_ = 	snop;
	(pc) =	sbr.ind lr, $3  }
0x3a: {  	_ = 	snop  }
0x3b: {  	_ = 	snop  }
0x3c: {  	p2 =	seq.s32 s10, $0x1;
	s10 =	sld [smem:$0x3FB7]  }
0x3d: {  	_ =	shalt  }
0x3e: {  	_ =	shalt  }
0x3f: {  	_ =	shalt  }
0x40: {  	_ =	shalt  }
0x41: {  	_ =	shalt  }
0x42: {  	_ =	shalt  }
0x43: {  	_ =	shalt  }
0x44: {  	_ =	shalt  }
0x45: {  	_ =	shalt  }
0x46: {  	_ =	shalt  }
0x47: {  	_ =	shalt  }
0x48: {  	_ =	shalt  }
0x49: {  	_ =	shalt  }
0x4a: {  	_ =	shalt  }
0x4b: {  	_ =	shalt  }
0x4c: {  	_ =	shalt  }
0x4d: {  	_ =	shalt  }
0x4e: {  	_ =	shalt  }
0x4f: {  	_ =	shalt  }
0x50: {  	_ =	shalt  }
0x51: {  	_ =	shalt  }
0x52: {  	_ =	shalt  }
0x53: {  	_ =	shalt  }
0x54: {  	_ =	shalt  }
0x55: {  	_ =	shalt  }
0x56: {  	_ =	shalt  }
0x57: {  	_ =	shalt  }
0x58: {  	_ =	shalt  }
0x59: {  	_ =	shalt  }
0x5a: {  	_ =	shalt  }
0x5b: {  	_ =	shalt  }
0x5c: {  	_ =	shalt  }
0x5d: {  	_ =	shalt  }
0x5e: {  	_ =	shalt  }
0x5f: {  	_ =	shalt  }
0x60: {  	_ =	shalt  }
0x61: {  	_ =	shalt  }
0x62: {  	_ =	shalt  }
0x63: {  	_ =	shalt  }
0x64: {  	_ =	shalt  }
0x65: {  	_ =	shalt  }
0x66: {  	_ =	shalt  }
0x67: {  	_ =	shalt  }
0x68: {  	_ =	shalt  }
0x69: {  	_ =	shalt  }
0x6a: {  	_ =	shalt  }
0x6b: {  	_ =	shalt  }
0x6c: {  	_ =	shalt  }
0x6d: {  	_ =	shalt  }
0x6e: {  	_ =	shalt  }
0x6f: {  	_ =	shalt  }
0x70: {  	_ =	shalt  }
0x71: {  	_ =	shalt  }
0x72: {  	_ =	shalt  }
0x73: {  	_ =	shalt  }
0x74: {  	_ =	shalt  }
0x75: {  	_ =	shalt  }
0x76: {  	_ =	shalt  }
0x77: {  	_ =	shalt  }
0x78: {  	_ =	shalt  }
0x79: {  	_ =	shalt  }
0x7a: {  	_ =	shalt  }
0x7b: {  	_ =	shalt  }
0x7c: {  	_ =	shalt  }
0x7d: {  	_ =	shalt  }
0x7e: {  	_ =	shalt  }
0x7f: {  	_ =	shalt  }
0x80: {  	_ =	shalt  }
0x81: {  	_ =	shalt  }
0x82: {  	_ =	shalt  }
0x83: {  	_ =	shalt  }
0x84: {  	_ =	shalt  }
0x85: {  	_ =	shalt  }
0x86: {  	_ =	shalt  }
0x87: {  	_ =	shalt  }
.Lfunc_end0:
.L_simem_size_0:
called_computation_lowered:
.L_overlay_start_0:
0x88: {  	s2 =	sld [smem:$0x3FD9]  }
0x89: {  	s3 =	sld [smem:$0x3FFE];
	_ =	sdelay $0x1  }
0x8a: {  	s1 =	srdreg.scid  }
0x8b: {  	s0 =	sand.u32 $0x1, s1  }
0x8c: {  	s17 =	sshll.u32 s0, $0xA;
	s2 =	sadd.s32 s3, s2  }
0x8d: {  	s2 =	sadd.s32 s2, s17  }
0x8e: {  	[smem:$0x3FC3] =	sst s2  }
0x8f: {  	_ = 	snop  }
0x90: {  	s2 =	sld [smem:$0x3FC9]  }
0x91: {  	s18 =	sld [smem:$0x3FC6];
	(tm) =	ssettm $0x1  }
0x92: {  	s4 =	sld [smem:$0x3FFB];
	_ =	sdelay $0x3  }
0x93: {  	_ =	strace s4  }
0x94: {  	s4 =	sld [smem:$0x3FFC];
	_ =	sdelay $0x3  }
0x95: {  	_ =	strace s4  }
0x96: {  	s4 =	sld [smem:$0x3FFD];
	_ =	sdelay $0x3  }
0x97: {  	_ =	strace s4  }
0x98: {  	_ =	strace $0x8FFFFFFF  }
0x99: {  	s19 =	sld [smem:$0x3FDB];
	_ =	sdelay $0x1  }
0x9a: {  	s5 =	simm.s32 $_scs_section_size  }
0x9b: {  	s6 =	simm.s32 $_size__tile_overlayer_lowered;
	s7 =	simm.s32 $_tile_overlayer_lowered  }
0x9c: {  	s22 =	simm.s32 $0x1BFF;
	s21 =	sshll.u32 s7, $0x1;
	s4 =	sadd.s32 s5, s19  }
0x9d: {  	s8 =	simm.s32 $0x0;
	s20 =	sshll.u32 s6, $0x1;
	s6 =	sadd.s32 s21, s4  }
0x9e: {  	[timem:s8], [sflag:s22] =	dma.local [hbm:s6], s20  }
0x9f: {  	_ =	swait.ge [sflag:s22], s20  }
0xa0: {  	s5 =	ssub.s32 $0x0, s20;
	[sflag:s22] =	ssyncset.done $0x0  }
0xa1: {  	[sflag:s22] =	ssyncadd.s32 s5;
	_ =	sdelay $0x1  }
0xa2: {  	s23 =	simm.s32 $0x1B8B  }
0xa3: {  	_ =	swait.ge [sflag:s23], $0x1  }
0xa4: {  	[sflag:s23] =	ssyncset.done $0x0  }
0xa5: {  	s25 =	simm.s32 $0x1B8E;
	s24 =	sld [smem:$0x3FFE];
	[sflag:s23] =	ssyncadd.s32 $0xFFFFFFFF  }
0xa6: {  	s26 =	simm.s32 $execute0_lowered;
	[smem:$0x3FD2] =	sst s25  }
0xa7: {  	s6 =	sshll.u32 s26, $0x1;
	_ =	strace $0x80000046;
	[dreg:$0x1] =	wrdreg $0xFFFFFFFF  }
0xa8: {  	s28 =	simm.s32 $_size_execute0_lowered;
	s4 =	sadd.s32 s4, s6;
	[dreg:$0x0] =	wrdreg $0x0  }
0xa9: {  	s6 =	sshll.u32 s28, $0x1;
	[dreg:$0x2] =	wrdreg s4  }
0xaa: {  	[dreg:$0x3] =	wrdreg s6  }
0xab: {  	[dreg:$0x4] =	wrdreg $0xC0  }
0xac: {  	_ =	task [dreg:s8], $0x5FFFF  }
0xad: {  	[dreg:$0x1] =	wrdreg $0xFFFFFFFF  }
0xae: {  	[dreg:$0x0] =	wrdreg $0x60  }
0xaf: {  	[dreg:$0x2] =	wrdreg s2  }
0xb0: {  	[dreg:$0x3] =	wrdreg s18  }
0xb1: {  	[dreg:$0x4] =	wrdreg s24  }
0xb2: {  	[dreg:$0x5] =	wrdreg $0x9  }
0xb3: {  	_ =	task.clear_ibuf [dreg:s8], $0x6FFFF;
	_ =	strace $0x90000046  }
0xb4: {  	s29 =	simm.s32 $0x9;
	_ =	strace $0x80000048  }
0xb5: {  	_ =	swait.ge [sflag:s29], $0x1  }
0xb6: {  	[sflag:s29] =	ssyncadd.s32 $0xFFFFFFFF  }
0xb7: {  	_ =	strace $0x90000048  }
0xb8: {  	_ =	sfence  }
0xb9: {  	s30 =	sld [smem:$0x0];
	_ =	sdelay $0x2  }
0xba: {  	s31 =	sshll.u32 s1, $0xD;
	s1 =	sshrl.u32 s1, $0x2  }
0xbb: {  	s3 =	sand.u32 $0x4000, s31;
	s1 =	sadd.s32 s1, s30  }
0xbc: {  	s0 =	sor.u32 s3, s0;
	s1 =	sshll.u32 s1, $0x11  }
0xbd: {  	s0 =	sor.u32 s1, s0  }
0xbe: {  	s0 =	sadd.s32 $0x8F2B, s0  }
0xbf: {  	[sflag:s0] =	ssyncadd.remote.s32 $0x1  }
0xc0: {  	_ =	sfence.sel $0xFFFF  }
0xc1: {  	[dreg:$0x0] =	wrdreg $0xFFFFFFFF;
	(pc) =	sbr.abs _section_cstart, $3  }
0xc2: {  	[dreg:$0x1] =	wrdreg $0xFFFFFFFF  }
0xc3: {  	_ =	task.clear_ibuf [dreg:s8], $0x2FFFF;
	_ =	strace $0x9FFFFFFF  }
0xc4: {  	(tm) =	ssettm $0x7FFFFFFF  }
0xc5: {  	_ =	shalt  }
tec
execute0_lowered:
.L_overlay_start_1:
0x0: {  	(tag) =	ssettag $0x1  }
0x1: {  	s1 =	srdreg.scid;
	s0 =	stileid.u32  }
0x2: {  	s6 =	rddreg [dreg:$0x1];
	s4 =	sand.u32 $0x1, s1;
	s29 =	sshll.u32 s0, $0x1  }
0x3: {  	s7 =	rddreg [dreg:$0x2];
	s5 =	sor.u32 s4, s29  }
0x4: {  	s2 =	rddreg [dreg:$0x3];
	p1 =	seq.s32 s4, $0x1;
	p0 =	seq.s32 s5, $0x0  }
0x5: {  	s3 =	simm.s32 $0x0;
	s1 =	rddreg [dreg:$0x0];
	p0 =	por !p0, !p1  }
0x6: {  	s8 =	simm.s32 $0x1;
	[smem:$0x7FF] =	sst s3;
	p0 =	por !p0, !p0  }
0x7: {  	s9 =	ssub.s32 $0x2, s4;
	s4 =	sshll.u32 s4, $0x6;
	s8 =	simm.s32 @!p0 $0x0  }
0x8: {  	s5 =	smul.u32 $0x280, s5;
	s11 =	sshrl.u32 s9, $0x1;
	s8 =	ssub.s32 s0, s8  }
0x9: {  	_ =	strace $0x80000047;
	s9 =	ssub.s32 s9, s11;
	s10 =	sshll.u32 s8, $0x7  }
0xa: {  	s11 =	simm.s32 $0x0;
	s7 =	sadd.s32 s5, s7;
	s4 =	sor.u32 s4, s10  }
0xb: {  	s31 =	smul.u32 $0x140000, s8;
	s8 =	simm.s32 $0x2;
	s30 =	sshrl.u32 s4, $0x3  }
0xc: {  	s10 =	simm.s32 $0x1480;
	s4 =	simm.s32 $0x1;
	s5 =	sadd.s32 s6, s30  }
0xd: {  	v0 =	vmov s31;
	s6 =	sadd.s32 $0xC00, s7;
	s7 =	smax.u32 s9, $0x1;
	s9 =	simm.s32 $0x80  }
.LBB2_1:
0xe: {  	[tilespmem:s3], [sflag:$0x2] =	stream.linear.gather [hbm4b:s5+s3], $0x40, $0x38;
	[tilespmem:$0x2880] =	vst v63  }
0xf: {  	_ =	swait.ge [sflag:s8], $0x40  }
0x10: {  	[sflag:s8] =	ssyncset.done $0x0  }
0x11: {  	[sflag:s8] =	ssyncadd.s32 $0xFFFFFFC0  }
0x12: {  	v1 =	vld [tilespmem:$0x0]  }
0x13: {  	v2 =	vld [tilespmem:$0x10]  }
0x14: {  	v3 =	vld [tilespmem:$0x20]  }
0x15: {  	v4 =	vld [tilespmem:$0x30];
	_ =	sdelay $0x2  }
0x16: {  	s12 =	simm.s32 $0x0;
	v2 =	vadd.s32 v0, v2  }
0x17: {  	v3 =	vadd.s32 v0, v3;
	[tilespmem:s12+$0x90] =	vst v2  }
0x18: {  	v1 =	vadd.s32 v0, v1;
	v4 =	vadd.s32 v0, v4;
	[tilespmem:s12+$0xA0] =	vst v3  }
0x19: {  	[tilespmem:s12+$0xB0] =	vst v4;
	v5 =	vadd.s32 $0x4000, v1  }
0x1a: {  	v6 =	vadd.s32 $0x4000, v2;
	[tilespmem:s12+$0xC0] =	vst v5  }
0x1b: {  	v7 =	vadd.s32 $0x4000, v3;
	[tilespmem:s12+$0xD0] =	vst v6  }
0x1c: {  	s13 =	simm.s32 $0x200;
	v5 =	vadd.s32 $0x4000, v4;
	[tilespmem:s12+$0xE0] =	vst v7  }
.LBB2_2:
0x1d: {  	p0 =	sne.s32 s13, $0x4E00;
	s14 =	sadd.s32 $0x80, s12;
	[tilespmem:s12+$0xF0] =	vst v5;
	s15 =	sadd.s32 $0x1480, s12  }
0x1e: {  	[tilespmem:s12+$0x80] =	vst v1;
	[tilespmem:s15], [sflag:$0x1] =	stream.indirect.gather [hbm4b:s1+s9], $0x1, s14, s9, $0xb8  }
0x1f: {  	v2 =	vadd.s32 $0x8000, v2;
	s12 =	sshra.s32 s13, $0x2  }
0x20: {  	v3 =	vadd.s32 $0x8000, v3;
	[tilespmem:s12+$0x90] =	vst v2  }
.Ltmp0:
0x21: {  	v4 =	vadd.s32 $0x8000, v4;
	v1 =	vadd.s32 $0x8000, v1;
	[tilespmem:s12+$0xA0] =	vst v3;
	(pc) =	sbr.rel @p0 .LBB2_2-.Ltmp0, $4  }
0x22: {  	v5 =	vadd.s32 $0x4000, v1;
	[tilespmem:s12+$0xB0] =	vst v4  }
0x23: {  	v6 =	vadd.s32 $0x4000, v2;
	[tilespmem:s12+$0xC0] =	vst v5  }
0x24: {  	v7 =	vadd.s32 $0x4000, v3;
	[tilespmem:s12+$0xD0] =	vst v6  }
0x25: {  	s13 =	sadd.s32 $0x200, s13;
	v5 =	vadd.s32 $0x4000, v4;
	[tilespmem:s12+$0xE0] =	vst v7  }
0x26: {  	[tilespmem:s12+$0xF0] =	vst v5  }
0x27: {  	s13 =	sadd.s32 $0x80, s12;
	s14 =	sadd.s32 $0x1480, s12;
	[tilespmem:s12+$0x80] =	vst v1  }
0x28: {  	[tilespmem:s14], [sflag:$0x1] =	stream.indirect.gather [hbm4b:s1+s9], $0x1, s13, s9, $0xb8;
	[tilespmem:$0x2880] =	vst v63  }
0x29: {  	s11 =	sadd.s32 $0x1, s11;
	_ =	swait.ge [sflag:s4], $0x1400  }
0x2a: {  	p0 =	sne.s32 s11, s7;
	[sflag:s4] =	ssyncset.done $0x0  }
.Ltmp1:
0x2b: {  	[sflag:s4] =	ssyncadd.s32 $0xFFFFEC00;
	(pc) =	sbr.rel @p0 .LBB2_1-.Ltmp1, $4  }
0x2c: {  	[hbm4b:s6+s3] =	stream.linear.scatter [tilespmem:s10], [sflag:$0x2], $0x1400, $0x38;
	[tilespmem:$0x2880] =	vst v63  }
0x2d: {  	_ =	swait.ge [sflag:s8], $0x1400  }
0x2e: {  	[sflag:s8] =	ssyncset.done $0x0  }
0x2f: {  	[sflag:s8] =	ssyncadd.s32 $0xFFFFEC00  }
0x30: {  	_ =	sfence.sel $0x180000  }
0x31: {  	[bflag:$0x0] =	sbarrier.arrive $0xFFFF  }
0x32: {  	p0 =	sne.s32 s0, $0x0;
	_ =	strace $0x90000047  }
0x33: {  	s0 =	sadd.s32 @!p0 $0x100000, s2;
	[bflag:$0x2] =	sbarrier.arrive $0xFFFF  }
0x34: {  	[sflag:s0] =	ssyncadd.tile.s32 @!p0 $0x1;
	_ =	shalt  }
.Lfunc_end2:
_tile_overlayer_lowered:
.L_overlay_start_2:
0x35: {  	(tag) =	ssettag $0x2  }
0x36: {  	s0 =	rddreg [dreg:$0x0];
	s2 =	stileid.u32  }
0x37: {  	s1 =	rddreg [dreg:$0x1];
	p0 =	sne.s32 s2, $0x0  }
0x38: {  	s3 =	rddreg [dreg:$0x2];
	[bflag:$0x3] =	sbarrier.arrive $0xFFFF;
	s2 =	simm.s32 @!p0 $0x1C02  }
0x39: {  	[timem:s3], [sflag:s2] =	dma.local @!p0 [hbm:s0], s1  }
0x3a: {  	s0 =	simm.s32 @!p0 $0x2  }
0x3b: {  	_ =	swait.ge @!p0 [sflag:s0], s1  }
0x3c: {  	s1 =	ssub.s32 @!p0 $0x0, s1;
	[sflag:s0] =	ssyncset.done @!p0 $0x0  }
0x3d: {  	[sflag:s0] =	ssyncadd.s32 @!p0 s1  }
0x3e: {  	[bflag:$0x3] =	sbarrier.arrive $0xFFFF  }
0x3f: {  	_ =	shalt  }

</sc_bundles>
